<compile_context>
chip_gen: v7x
topology: tpu7x:2x2x1
jax: 0.10.2.dev20260603
libtpu: 0.0.44.dev20260713+nightly
codegen_flags: <defaults>
</compile_context>

<pallas_src>
import functools

import jax
import jax.numpy as jnp
import numpy as np
from jax import lax
from jax.experimental import pallas as pl
from jax.experimental.pallas import tpu as pltpu
from jax.experimental.pallas import tpu_sc as plsc

_S = 8192

_KEEP_HEX = (
    "3977477ed23beaffedff5dffdd797efff77f5d7fddf797f7ffae9fffd7cefbdfff5b45eb7ffff1fefffb75febef1ef7f"
    "9f776bee77ffaddfa37edb4cf6bada7fffdd1fbefbfedfff5fdea577bbf9fdf37dfb7b79f9f75d7eeef97ff9bf7ef7fc"
    "3ffafffebffdbff5af3dd8bbf67edfadfffbbffed75ca376bbff57ffdf7fbffffdff9dfbeff93d6bedffa7fdf5f6b5ff"
    "3be8f2bdfffefdddbbffbffffffdff7dfd7dbdfbdb5ffffff5aee7a6f3ffe7baaf9fa9fbfdbfc9ffebcecdeddbfaf9ff"
    "bfffffff96bfdadff5adbf3ffffbf7cff50ff7e73ad3f77f7fdfb7effe7f777defedffffe7d3dffefa4fd7dbfffeefff"
    "febd7ff0e7f4fdfeeffe8ffdfc95ff3ffd9fdbf3bf7273fffcfef7bfffff7feffffdf3d9bfc7efe6bf7fffb7ffedffba"
    "f7f6faeffff7debdf17bfedefde3fbb3e75bfff32cfbb5fffbfbb7fff3dfbf3eddeefefbffebf76fcefbbffed5ffffcf"
    "ffffeffffdff6ffd7befdffcfbef1bf4fae6d3bff2ffd5ffbffddffb6bff7f7f3f7dfbf7ffeabefbbffdf7bdbffff77f"
    "9eb923fffd73efdfcfebbfffff7ff1ffffde97edfeef95fe7f39c7ff66effefd7fbffbbffbbffb5f7fffd3fff7f7457f"
    "fffbebbb7fff9ebefeb37e3bfdfdbe7add5ffbbbbfe7ffc71fdef8db9d79ab7ddefdfd3fdef9fbfe1fdff7fffdff7fbf"
    "ffdfbedb3effb7ffa936defe5ffecb6fedee3eb5bef6dffb7dfffbffffeffdfee8fe653ffffbbcdb7fb77fcbef97f7ff"
    "ffbffbebff617ffff7ff73fefbff7fd8f5dddebff7fffffffcff7cbed77f58d8efe35f7bf6f7dfffa7f1fffe47feb9af"
    "44effbbdf7ff9bf777d5defdeefff1fd7bdfeffdaffffbf7df7def7b1ff78feae3f7efed5bf9df75c7f5fdfdfdebfb7f"
    "77fee7dffedf6cf79fffdbfff7ebfdfbdfb7dff97f7fbfff6fbf77fafd7fd7ebeffbddf9e7eebbef67fff77fb6f5bfaf"
    "ff6fbfbd8fbaffffdf7a9f6e7ffbddbff6f7dfefbdfbb7f7deffbfdde7cd75f47ddfbf93dfefffdfdde7bfefdefe73ff"
    "7ffdeffffa87f7f4ffeeffff9fdd2fdf39f7ef7fd3ffeffffffbefcfdfeffbffe37dd7fdc5fffefbbffefff3bfffeb67"
    "ffefff7fffffaf5dff6fdf7e37d77b3efa6afeffdbbd2af9fe5f7dbffdebef5bfee7fa7ffefffeb5fefffdfffff3f1dd"
    "f57ff7fffde7efef77d1f7bbf6dffd7fbfbff7fff7fe9cf8dd7fbe7fbdebbbffaf7fffffc57fbfbf9fffffff59f7b7e8"
    "ff5bfff0bbf7f7a9fbae7fde763dfbfacfffdfff3ffffbdff7f9ff7f7ffbffeff3ffff9bdffffefff3bfbfbff5bda7f6"
    "5ffffb9fffbadb3fef4f877febdfff37f5f6cffffbeff3ffdffddfbedeedfe76bca8dbf4fbfbef7beefedbfc6b57ffbd"
    "ffbf75ffffdedfbfefff97feefdaddaf36dfeef9dfdb677ffa6db379f737ff7fdffdcffbefec7f5ff7da6ed77cf7d0b9"
    "fffb7bfadfbb73dfff7febf6beebefee"
)

_KEEP_NP = np.unpackbits(
    np.frombuffer(bytes.fromhex(_KEEP_HEX), dtype=np.uint8)
).astype(np.float32)

_DROP_IDX = np.where(_KEEP_NP == 0.0)[0].astype(np.int32)
_NDROP_PAD = -(-len(_DROP_IDX) // 16) * 16
_DROP_PAD = np.full((_NDROP_PAD,), _DROP_IDX[-1], dtype=np.int32)
_DROP_PAD[: len(_DROP_IDX)] = _DROP_IDX
_NIDXV = _NDROP_PAD // 16

_ROWS = 4096
_NW = 32
_ROWS_PER_W = _ROWS // _NW
_G = 8
_CHUNK = _G * _S
_NCHUNK = _ROWS_PER_W // _G
_NBUF = 1


def _sc_body(x_hbm, idx_hbm, out_hbm, buf0, idxv):
    wid = lax.axis_index("s") * 2 + lax.axis_index("c")
    base = wid * (_ROWS_PER_W * _S)
    pltpu.sync_copy(idx_hbm, idxv)

    def chunk_body(t, carry):
        off = base + t * _CHUNK
        pltpu.sync_copy(x_hbm.at[pl.ds(off, _CHUNK)], buf0)
        pltpu.sync_copy(buf0, out_hbm.at[pl.ds(off, _CHUNK)])
        return carry

    lax.fori_loop(0, _NCHUNK, chunk_body, 0)


_sc_call = functools.partial(
    pl.kernel,
    mesh=plsc.VectorSubcoreMesh(core_axis_name="c", subcore_axis_name="s"),
    out_type=jax.ShapeDtypeStruct((_ROWS * _S,), jnp.float32),
    scratch_types=[
        pltpu.VMEM((_CHUNK,), jnp.float32),
        pltpu.VMEM((_NDROP_PAD,), jnp.int32),
    ],
    compiler_params=pltpu.CompilerParams(needs_layout_passes=False),
)(_sc_body)


def kernel(x_in):
    B, T, S = x_in.shape
    x_flat = x_in.reshape(B * T * S)
    out = _sc_call(x_flat, jnp.asarray(_DROP_PAD))
    return out.reshape(B, T, S)

# --- scband reference (transcript-rebuilt; emitter-appended) ---
"""Pipeline reference for scband-frame-dropout-37254546325873 (READ-ONLY COPY).

The authoritative reference and input builder live on the scoring server;
editing this copy changes nothing except your own understanding.
"""

import jax, jax.numpy as jnp
import numpy as np

DROPOUT_PROB = 0.2


def setup_inputs(seed: int = 0) -> dict:
    key = jax.random.key(seed)
    x_in = jax.random.normal(key, (4, 1024, 8192), dtype=jnp.float32)
    return {"x_in": x_in}


def reference(x_in):
    # FrameDropout: zero out entire feature vectors (frames) along the last
    # (sequence) axis with probability dropout_prob. The torch module draws
    # one Bernoulli per frame index and scatter-overwrites those frames to 0:
    #   x_in[:, :, drop_frame_idx] = 0
    # We reproduce this with a deterministic per-frame mask and a masked
    # overwrite (scatter-overwrite semantics along the frame axis).
    S = x_in.shape[2]
    mask_key = jax.random.fold_in(jax.random.key(0), 1)
    drop = jax.random.uniform(mask_key, (S,), dtype=jnp.float32) < DROPOUT_PROB
    out = jnp.where(drop[None, None, :], jnp.zeros_like(x_in), x_in)
    return out

if __name__ == "__main__":
    import jax
    _d = setup_inputs()
    print(jax.jit(kernel)(*tuple(_d.values())))

</pallas_src>

<mosaic_0001>
#map = affine_map<(d0, d1) -> (0)>
module attributes {stable_mosaic.version = 14 : i64} {
  func.func @_sc_body(%arg0: i32, %arg1: i32, %arg2: memref<33554432xf32, #tpu.memory_space<hbm>>, %arg3: memref<1648xi32, #tpu.memory_space<hbm>>, %arg4: memref<33554432xf32, #tpu.memory_space<hbm>>, %arg5: memref<65536xf32, #tpu.memory_space<vmem>>, %arg6: memref<1648xi32, #tpu.memory_space<vmem>>) attributes {dimension_semantics = [#tpu.dimension_semantics<core_parallel>, #tpu.dimension_semantics<subcore_parallel>], iteration_bounds = array<i64: 2, 16>, scalar_prefetch = 0 : i64, scratch_operands = 2 : i64, tpu.core_type = #tpu.core_type<sc_vector_subcore>, window_params = [{transform_indices = #map}, {transform_indices = #map}, {transform_indices = #map}]} {
    %mul3A = arith.constant 2 : i32
    %mul3A_0 = arith.muli %arg1, %mul3A : i32
    %add3A = arith.addi %mul3A_0, %arg0 : i32
    %mul3A_1 = arith.constant 1048576 : i32
    %mul3A_2 = arith.muli %add3A, %mul3A_1 : i32
    "tpu.region"() ({
      %run_scoped3A = tpu.sem_alloc : memref<!tpu.dma_semaphore, #tpu.memory_space<semaphore_mem>>
      tpu.enqueue_dma source(%arg3 : memref<1648xi32, #tpu.memory_space<hbm>>) target(%arg6 : memref<1648xi32, #tpu.memory_space<vmem>>) target_semaphore(%run_scoped3A : memref<!tpu.dma_semaphore, #tpu.memory_space<semaphore_mem>>)
      tpu.wait_dma2 semaphore(%run_scoped3A : memref<!tpu.dma_semaphore, #tpu.memory_space<semaphore_mem>>) src(%arg3 : memref<1648xi32, #tpu.memory_space<hbm>>) dst(%arg6 : memref<1648xi32, #tpu.memory_space<vmem>>)
      tpu.yield
    }) : () -> ()
    %scan3A = arith.constant 0 : i32
    %scan3A_3 = arith.constant 0 : i32
    %scan3A_4 = arith.constant 16 : i32
    %scan3A_5 = arith.addi %scan3A_3, %scan3A_4 : i32
    %scan3A_6 = arith.constant 1 : i32
    scf.for %scan3A_8 = %scan3A_3 to %scan3A_5 step %scan3A_6  : i32 {
      %mul3A_9 = arith.constant 65536 : i32
      %mul3A_10 = arith.muli %scan3A_8, %mul3A_9 : i32
      %add3A_11 = arith.addi %mul3A_2, %mul3A_10 : i32
      "tpu.region"() ({
        %run_scoped3A = tpu.sem_alloc : memref<!tpu.dma_semaphore, #tpu.memory_space<semaphore_mem>>
        %dma_start3A = tpu.memref_slice %arg2[%add3A_11] : memref<33554432xf32, #tpu.memory_space<hbm>> -> memref<65536xf32, #tpu.memory_space<hbm>>
        %dma_start3A_12 = tpu.memref_slice %arg2[%add3A_11] : memref<33554432xf32, #tpu.memory_space<hbm>> -> memref<65536xf32, #tpu.memory_space<hbm>>
        tpu.enqueue_dma source(%dma_start3A_12 : memref<65536xf32, #tpu.memory_space<hbm>>) target(%arg5 : memref<65536xf32, #tpu.memory_space<vmem>>) target_semaphore(%run_scoped3A : memref<!tpu.dma_semaphore, #tpu.memory_space<semaphore_mem>>)
        %dma_wait3A = tpu.memref_slice %arg2[%add3A_11] : memref<33554432xf32, #tpu.memory_space<hbm>> -> memref<65536xf32, #tpu.memory_space<hbm>>
        %dma_wait3A_13 = tpu.memref_slice %arg2[%add3A_11] : memref<33554432xf32, #tpu.memory_space<hbm>> -> memref<65536xf32, #tpu.memory_space<hbm>>
        tpu.wait_dma2 semaphore(%run_scoped3A : memref<!tpu.dma_semaphore, #tpu.memory_space<semaphore_mem>>) src(%dma_wait3A_13 : memref<65536xf32, #tpu.memory_space<hbm>>) dst(%arg5 : memref<65536xf32, #tpu.memory_space<vmem>>)
        tpu.yield
      }) : () -> ()
      "tpu.region"() ({
        %run_scoped3A = tpu.sem_alloc : memref<!tpu.dma_semaphore, #tpu.memory_space<semaphore_mem>>
        %dma_start3A = tpu.memref_slice %arg4[%add3A_11] : memref<33554432xf32, #tpu.memory_space<hbm>> -> memref<65536xf32, #tpu.memory_space<hbm>>
        %dma_start3A_12 = tpu.memref_slice %arg4[%add3A_11] : memref<33554432xf32, #tpu.memory_space<hbm>> -> memref<65536xf32, #tpu.memory_space<hbm>>
        tpu.enqueue_dma source(%arg5 : memref<65536xf32, #tpu.memory_space<vmem>>) target(%dma_start3A_12 : memref<65536xf32, #tpu.memory_space<hbm>>) target_semaphore(%run_scoped3A : memref<!tpu.dma_semaphore, #tpu.memory_space<semaphore_mem>>)
        %dma_wait3A = tpu.memref_slice %arg4[%add3A_11] : memref<33554432xf32, #tpu.memory_space<hbm>> -> memref<65536xf32, #tpu.memory_space<hbm>>
        %dma_wait3A_13 = tpu.memref_slice %arg4[%add3A_11] : memref<33554432xf32, #tpu.memory_space<hbm>> -> memref<65536xf32, #tpu.memory_space<hbm>>
        tpu.wait_dma2 semaphore(%run_scoped3A : memref<!tpu.dma_semaphore, #tpu.memory_space<semaphore_mem>>) src(%arg5 : memref<65536xf32, #tpu.memory_space<vmem>>) dst(%dma_wait3A_13 : memref<65536xf32, #tpu.memory_space<hbm>>)
        tpu.yield
      }) : () -> ()
    }
    %scan3A_7 = arith.constant 16 : i32
    return
  }
}

</mosaic_0001>

<sc_bundles>
// kernel: kernel.3.cloned.1.call-start
scs
__scs_entry_jumppad:
0x0: {  	(pc) =	sbr.rel $0x88, $3  }
0x1: {  	(tag) =	ssettag $0x0;
	lr =	simm.s32 $0x1  }
0x2: {  	[smem:$0x3FA0] =	sst lr;
	_ =	strace $0xD0000000  }
0x3: {  	_ = 	snop  }
0x4: {  	_ = 	snop  }
0x5: {  	_ = 	snop  }
0x6: {  	_ = 	snop  }
0x7: {  	_ = 	snop  }
__scs_overlays_trampoline_lowered:
0x8: {  	[smem:$0x3FAF] =	sst s0  }
0x9: {  	[smem:$0x3FB0] =	sst s1  }
0xa: {  	[smem:$0x3FB1] =	sst s2  }
0xb: {  	[smem:$0x3FB2] =	sst s3  }
0xc: {  	[smem:$0x3FB3] =	sst s4  }
0xd: {  	[smem:$0x3FB4] =	sst s5  }
0xe: {  	[smem:$0x3FB5] =	sst s6  }
0xf: {  	[smem:$0x3FB6] =	sst s7  }
0x10: {  	[smem:$0x3FB7] =	sst s8  }
0x11: {  	[smem:$0x3FB8] =	sst s9;
	s0 =	simm.s32 @!p0 $0x0  }
0x12: {  	s1 =	sld [smem:$0x3F9E];
	s0 =	simm.s32 @p0 $0x1  }
0x13: {  	[smem:$0x3FB9] =	sst s0;
	s0 =	simm.s32 @!p1 $0x0  }
0x14: {  	s2 =	sld [smem:$0x3F9D];
	s0 =	simm.s32 @p1 $0x1  }
0x15: {  	[smem:$0x3FBA] =	sst s0;
	s0 =	simm.s32 @!p2 $0x0  }
0x16: {  	s3 =	sld [smem:$0x3FDB];
	s0 =	simm.s32 @p2 $0x1  }
0x17: {  	s4 =	simm.s32 $0x1BF5;
	[smem:$0x3FBC] =	sst s0  }
0x18: {  	s0 =	sld [smem:$0x3F9F];
	_ =	swait.ge [sflag:s4], $0x0  }
0x19: {  	s7 =	sld [smem:$0x3FA0]  }
0x1a: {  	s8 =	sadd.s32 $0xFFFFE003, lr  }
0x1b: {  	s9 =	sadd.s32 $0xFFFFFEF7, lr;
	s5 =	simm.s32 $0xFFFFFFFF;
	p2 =	slt.u32 s8, $0xFFFFF086  }
0x1c: {  	p1 =	slt.u32 s9, $0xF7A;
	s5 =	simm.s32 @!p2 $0x0  }
0x1d: {  	s5 =	simm.s32 @p1 $0x1;
	p0 =	seq.s32 s7, s2  }
0x1e: {  	s7 =	smul.u32 @!p0 $0xF7A, s2;
	p2 =	seq.s32 @!p0 s5, $0x0  }
0x1f: {  	s9 =	smul.u32 $0xF7A, s1;
	s8 =	simm.s32 @!p0 $0x1BF5;
	p2 =	por !p2, p0  }
0x20: {  	[sflag:s8] =	ssyncset.s32 @!p0 $0xFFFFF086;
	s6 =	sadd.s32 @!p0 s3, s7;
	s7 =	simm.s32 @!p0 $0x108  }
0x21: {  	s3 =	sadd.s32 s3, s9;
	s6 =	sadd.s32 @!p0 $0x88, s6;
	s7 =	simm.s32 @p2 $0x1082  }
0x22: {  	[simem:s7], [sflag:s8] =	dma.local @!p0 [hbm:s6], $0xF7A  }
0x23: {  	s9 =	sor.u32 $0xD0000000, s2;
	s6 =	simm.s32 $0x108;
	_ =	swait.ge @!p0 [sflag:s8], $0x0  }
0x24: {  	s3 =	sadd.s32 $0x88, s3;
	s6 =	simm.s32 @!p1 $0x1082;
	[sflag:s4] =	ssyncset.s32 $0xFFFFF086  }
0x25: {  	[simem:s6], [sflag:s4] =	dma.local [hbm:s3], $0xF7A  }
0x26: {  	[smem:$0x3FA0] =	sst s1;
	(tag) =	ssettag s2;
	_ =	strace s9  }
0x27: {  	s1 =	sld [smem:$0x3FB0]  }
0x28: {  	s2 =	sld [smem:$0x3FB1]  }
0x29: {  	s4 =	sld [smem:$0x3FB3]  }
0x2a: {  	p0 =	seq.s32 s5, $0x0;
	s5 =	sld [smem:$0x3FB4]  }
0x2b: {  	s6 =	sld [smem:$0x3FB5]  }
0x2c: {  	s7 =	sld [smem:$0x3FB6]  }
0x2d: {  	s3 =	simm.s32 $0x108;
	s8 =	sld [smem:$0x3FB7]  }
0x2e: {  	s3 =	simm.s32 @!p0 $0x1082;
	s9 =	sld [smem:$0x3FB8]  }
0x2f: {  	lr =	sadd.s32 s0, s3;
	s0 =	sld [smem:$0x3FAF]  }
0x30: {  	s3 =	sld [smem:$0x3FB2]  }
0x31: {  	[smem:$0x3FBB] =	sst s10  }
0x32: {  	s10 =	sld [smem:$0x3FB9];
	_ =	sdelay $0x3  }
0x33: {  	p0 =	seq.s32 s10, $0x1;
	s10 =	sld [smem:$0x3FBB];
	_ =	sdelay $0x3  }
0x34: {  	[smem:$0x3FBB] =	sst s10  }
0x35: {  	s10 =	sld [smem:$0x3FBA];
	_ =	sdelay $0x3  }
0x36: {  	p1 =	seq.s32 s10, $0x1;
	s10 =	sld [smem:$0x3FBB];
	_ =	sdelay $0x3  }
0x37: {  	[smem:$0x3FBB] =	sst s10  }
0x38: {  	s10 =	sld [smem:$0x3FBC]  }
0x39: {  	_ = 	snop;
	(pc) =	sbr.ind lr, $3  }
0x3a: {  	_ = 	snop  }
0x3b: {  	_ = 	snop  }
0x3c: {  	p2 =	seq.s32 s10, $0x1;
	s10 =	sld [smem:$0x3FBB]  }
0x3d: {  	_ =	shalt  }
0x3e: {  	_ =	shalt  }
0x3f: {  	_ =	shalt  }
0x40: {  	_ =	shalt  }
0x41: {  	_ =	shalt  }
0x42: {  	_ =	shalt  }
0x43: {  	_ =	shalt  }
0x44: {  	_ =	shalt  }
0x45: {  	_ =	shalt  }
0x46: {  	_ =	shalt  }
0x47: {  	_ =	shalt  }
0x48: {  	_ =	shalt  }
0x49: {  	_ =	shalt  }
0x4a: {  	_ =	shalt  }
0x4b: {  	_ =	shalt  }
0x4c: {  	_ =	shalt  }
0x4d: {  	_ =	shalt  }
0x4e: {  	_ =	shalt  }
0x4f: {  	_ =	shalt  }
0x50: {  	_ =	shalt  }
0x51: {  	_ =	shalt  }
0x52: {  	_ =	shalt  }
0x53: {  	_ =	shalt  }
0x54: {  	_ =	shalt  }
0x55: {  	_ =	shalt  }
0x56: {  	_ =	shalt  }
0x57: {  	_ =	shalt  }
0x58: {  	_ =	shalt  }
0x59: {  	_ =	shalt  }
0x5a: {  	_ =	shalt  }
0x5b: {  	_ =	shalt  }
0x5c: {  	_ =	shalt  }
0x5d: {  	_ =	shalt  }
0x5e: {  	_ =	shalt  }
0x5f: {  	_ =	shalt  }
0x60: {  	_ =	shalt  }
0x61: {  	_ =	shalt  }
0x62: {  	_ =	shalt  }
0x63: {  	_ =	shalt  }
0x64: {  	_ =	shalt  }
0x65: {  	_ =	shalt  }
0x66: {  	_ =	shalt  }
0x67: {  	_ =	shalt  }
0x68: {  	_ =	shalt  }
0x69: {  	_ =	shalt  }
0x6a: {  	_ =	shalt  }
0x6b: {  	_ =	shalt  }
0x6c: {  	_ =	shalt  }
0x6d: {  	_ =	shalt  }
0x6e: {  	_ =	shalt  }
0x6f: {  	_ =	shalt  }
0x70: {  	_ =	shalt  }
0x71: {  	_ =	shalt  }
0x72: {  	_ =	shalt  }
0x73: {  	_ =	shalt  }
0x74: {  	_ =	shalt  }
0x75: {  	_ =	shalt  }
0x76: {  	_ =	shalt  }
0x77: {  	_ =	shalt  }
0x78: {  	_ =	shalt  }
0x79: {  	_ =	shalt  }
0x7a: {  	_ =	shalt  }
0x7b: {  	_ =	shalt  }
0x7c: {  	_ =	shalt  }
0x7d: {  	_ =	shalt  }
0x7e: {  	_ =	shalt  }
0x7f: {  	_ =	shalt  }
0x80: {  	_ =	shalt  }
0x81: {  	_ =	shalt  }
0x82: {  	_ =	shalt  }
0x83: {  	_ =	shalt  }
0x84: {  	_ =	shalt  }
0x85: {  	_ =	shalt  }
0x86: {  	_ =	shalt  }
0x87: {  	_ =	shalt  }
.Lfunc_end0:
.L_simem_size_0:
called_computation.1_lowered:
.L_overlay_start_0:
0x88: {  	s2 =	sld [smem:$0x3FD9]  }
0x89: {  	s3 =	sld [smem:$0x3FFE];
	_ =	sdelay $0x1  }
0x8a: {  	s1 =	srdreg.scid  }
0x8b: {  	s0 =	sand.u32 $0x1, s1  }
0x8c: {  	s17 =	sshll.u32 s0, $0xA;
	s2 =	sadd.s32 s3, s2  }
0x8d: {  	s2 =	sadd.s32 s2, s17  }
0x8e: {  	[smem:$0x3FC7] =	sst s2  }
0x8f: {  	_ = 	snop  }
0x90: {  	s2 =	sld [smem:$0x3FD0];
	(tm) =	ssettm $0x1  }
0x91: {  	s18 =	sld [smem:$0x3FFB];
	_ =	sdelay $0x3  }
0x92: {  	_ =	strace s18  }
0x93: {  	s3 =	sld [smem:$0x3FFC];
	_ =	sdelay $0x3  }
0x94: {  	_ =	strace s3  }
0x95: {  	s3 =	sld [smem:$0x3FFD];
	_ =	sdelay $0x3  }
0x96: {  	_ =	strace s3  }
0x97: {  	_ =	strace $0x8FFFFFFF  }
0x98: {  	s19 =	sld [smem:$0x3FDB];
	_ =	sdelay $0x1  }
0x99: {  	s4 =	simm.s32 $_scs_section_size  }
0x9a: {  	s5 =	simm.s32 $_size__tile_overlayer_lowered;
	s6 =	simm.s32 $_tile_overlayer_lowered  }
0x9b: {  	s22 =	simm.s32 $0x1BFF;
	s21 =	sshll.u32 s6, $0x1;
	s3 =	sadd.s32 s4, s19  }
0x9c: {  	s7 =	simm.s32 $0x0;
	s20 =	sshll.u32 s5, $0x1;
	s5 =	sadd.s32 s21, s3  }
0x9d: {  	[timem:s7], [sflag:s22] =	dma.local [hbm:s5], s20  }
0x9e: {  	_ =	swait.ge [sflag:s22], s20  }
0x9f: {  	s4 =	ssub.s32 $0x0, s20;
	[sflag:s22] =	ssyncset.done $0x0  }
0xa0: {  	[sflag:s22] =	ssyncadd.s32 s4;
	_ =	sdelay $0x1  }
0xa1: {  	s23 =	simm.s32 $0x1B8B  }
0xa2: {  	_ =	swait.ge [sflag:s23], $0x1  }
0xa3: {  	[sflag:s23] =	ssyncset.done $0x0  }
0xa4: {  	s25 =	simm.s32 $0x1B8E;
	s24 =	sld [smem:$0x3FFE];
	[sflag:s23] =	ssyncadd.s32 $0xFFFFFFFF  }
0xa5: {  	s26 =	simm.s32 $execute0_lowered;
	[smem:$0x3FD2] =	sst s25  }
0xa6: {  	s5 =	sshll.u32 s26, $0x1;
	_ =	strace $0x80000049;
	[dreg:$0x1] =	wrdreg $0xFFFFFFFF  }
0xa7: {  	s28 =	simm.s32 $_size_execute0_lowered;
	s3 =	sadd.s32 s3, s5;
	[dreg:$0x0] =	wrdreg $0x0  }
0xa8: {  	s5 =	sshll.u32 s28, $0x1;
	[dreg:$0x2] =	wrdreg s3  }
0xa9: {  	[dreg:$0x3] =	wrdreg s5  }
0xaa: {  	[dreg:$0x4] =	wrdreg $0xC0  }
0xab: {  	_ =	task [dreg:s7], $0x5FFFF  }
0xac: {  	[dreg:$0x1] =	wrdreg $0xFFFFFFFF  }
0xad: {  	[dreg:$0x0] =	wrdreg $0x60  }
0xae: {  	[dreg:$0x2] =	wrdreg s2  }
0xaf: {  	[dreg:$0x3] =	wrdreg s24  }
0xb0: {  	[dreg:$0x4] =	wrdreg $0x9  }
0xb1: {  	_ =	task.clear_ibuf [dreg:s7], $0x5FFFF;
	_ =	strace $0x90000049  }
0xb2: {  	s29 =	simm.s32 $0x9;
	_ =	strace $0x8000004B  }
0xb3: {  	_ =	swait.ge [sflag:s29], $0x1  }
0xb4: {  	[sflag:s29] =	ssyncadd.s32 $0xFFFFFFFF  }
0xb5: {  	_ =	strace $0x9000004B  }
0xb6: {  	_ =	sfence  }
0xb7: {  	s30 =	sld [smem:$0x0];
	_ =	sdelay $0x2  }
0xb8: {  	s31 =	sshll.u32 s1, $0xD;
	s1 =	sshrl.u32 s1, $0x2  }
0xb9: {  	s3 =	sand.u32 $0x4000, s31;
	s1 =	sadd.s32 s1, s30  }
0xba: {  	s0 =	sor.u32 s3, s0;
	s1 =	sshll.u32 s1, $0x11  }
0xbb: {  	s0 =	sor.u32 s1, s0  }
0xbc: {  	s0 =	sadd.s32 $0x8F2B, s0  }
0xbd: {  	[sflag:s0] =	ssyncadd.remote.s32 $0x1  }
0xbe: {  	_ =	sfence.sel $0xFFFF  }
0xbf: {  	[dreg:$0x0] =	wrdreg $0xFFFFFFFF;
	(pc) =	sbr.abs _section_cstart, $3  }
0xc0: {  	[dreg:$0x1] =	wrdreg $0xFFFFFFFF  }
0xc1: {  	_ =	task.clear_ibuf [dreg:s7], $0x2FFFF;
	_ =	strace $0x9FFFFFFF  }
0xc2: {  	(tm) =	ssettm $0x7FFFFFFF  }
0xc3: {  	_ =	shalt  }
tec
execute0_lowered:
.L_overlay_start_1:
0x0: {  	(tag) =	ssettag $0x1  }
0x1: {  	s4 =	rddreg [dreg:$0x0]  }
0x2: {  	s5 =	rddreg [dreg:$0x1]  }
0x3: {  	s0 =	rddreg [dreg:$0x2]  }
0x4: {  	s2 =	simm.s32 $0x0;
	s3 =	srdreg.scid;
	s1 =	stileid.u32  }
0x5: {  	[smem:$0x7FF] =	sst s2;
	s6 =	sand.u32 $0x1, s3;
	s3 =	sadd.s32 $0xA00, s5  }
0x6: {  	s7 =	sshll.u32 s1, $0x12;
	_ =	strace $0x8000004A;
	s8 =	ssub.s32 $0x2, s6  }
0x7: {  	s5 =	sadd.s32 s7, s5;
	s6 =	sshll.u32 s6, $0x11;
	s7 =	sadd.s32 s7, s4  }
0x8: {  	s9 =	sshrl.u32 s8, $0x1;
	s5 =	sadd.s32 s6, s5;
	s6 =	sadd.s32 s6, s7  }
0x9: {  	s7 =	simm.s32 $0x10000;
	s8 =	ssub.s32 s8, s9;
	s5 =	sadd.s32 $0xC00, s5  }
0xa: {  	s9 =	simm.s32 $0x0;
	s4 =	smax.u32 s8, $0x1;
	s8 =	simm.s32 $0x1  }
.LBB2_1:
0xb: {  	[tilespmem:s7], [sflag:$0x1] =	stream.linear.gather [hbm4b:s3+s2], $0x680, $0x38;
	[tilespmem:$0x10680] =	vst v63  }
0xc: {  	_ =	swait.ge [sflag:s8], $0x680  }
0xd: {  	[sflag:s8] =	ssyncset.done $0x0  }
0xe: {  	s10 =	sadd.s32 $0x0, s6;
	[sflag:s8] =	ssyncadd.s32 $0xFFFFF980  }
0xf: {  	[tilespmem:s2], [sflag:$0x1] =	stream.linear.gather [hbm4b:s10+s2], $0x10000, $0x38;
	[tilespmem:$0x10680] =	vst v63  }
0x10: {  	_ =	swait.ge [sflag:s8], $0x10000  }
0x11: {  	[sflag:s8] =	ssyncset.done $0x0  }
0x12: {  	s31 =	sadd.s32 $0x0, s5;
	[sflag:s8] =	ssyncadd.s32 $0xFFFF0000  }
0x13: {  	[hbm4b:s31+s2] =	stream.linear.scatter [tilespmem:s2], [sflag:$0x1], $0x10000, $0x38;
	[tilespmem:$0x10680] =	vst v63  }
0x14: {  	_ =	swait.ge [sflag:s8], $0x10000  }
0x15: {  	s11 =	simm.s32 $0x4000;
	s10 =	simm.s32 $0x2000;
	[sflag:s8] =	ssyncset.done $0x0  }
.LBB2_2:
0x16: {  	s12 =	sadd.s32 s10, s6  }
0x17: {  	[sflag:s8] =	ssyncadd.s32 $0xFFFF0000;
	s13 =	smov.u32 s11;
	s14 =	sadd.s32 $0x2000, s11  }
0x18: {  	[tilespmem:s2], [sflag:$0x1] =	stream.linear.gather [hbm4b:s12+s2], $0x10000, $0x38;
	[tilespmem:$0x10680] =	vst v63  }
0x19: {  	p0 =	sne.s32 s11, $0x1E000;
	_ =	swait.ge [sflag:s8], $0x10000  }
.Ltmp0:
0x1a: {  	[sflag:s8] =	ssyncset.done $0x0;
	(pc) =	sbr.rel @p0 .LBB2_2-.Ltmp0, $4  }
0x1b: {  	s11 =	sadd.s32 s10, s5;
	s10 =	smov.u32 s13;
	[sflag:s8] =	ssyncadd.s32 $0xFFFF0000  }
0x1c: {  	[hbm4b:s11+s2] =	stream.linear.scatter [tilespmem:s2], [sflag:$0x1], $0x10000, $0x38;
	[tilespmem:$0x10680] =	vst v63  }
0x1d: {  	_ =	swait.ge [sflag:s8], $0x10000  }
0x1e: {  	s11 =	smov.u32 s14;
	[sflag:s8] =	ssyncset.done $0x0  }
0x1f: {  	s11 =	sadd.s32 s10, s6;
	[sflag:s8] =	ssyncadd.s32 $0xFFFF0000  }
0x20: {  	[tilespmem:s2], [sflag:$0x1] =	stream.linear.gather [hbm4b:s11+s2], $0x10000, $0x38;
	[tilespmem:$0x10680] =	vst v63  }
0x21: {  	s9 =	sadd.s32 $0x1, s9;
	_ =	swait.ge [sflag:s8], $0x10000  }
0x22: {  	p0 =	sne.s32 s9, s4;
	[sflag:s8] =	ssyncset.done $0x0  }
.Ltmp1:
0x23: {  	s31 =	sadd.s32 s10, s5;
	[sflag:s8] =	ssyncadd.s32 $0xFFFF0000;
	(pc) =	sbr.rel @p0 .LBB2_1-.Ltmp1, $4  }
0x24: {  	[hbm4b:s31+s2] =	stream.linear.scatter [tilespmem:s2], [sflag:$0x1], $0x10000, $0x38;
	[tilespmem:$0x10680] =	vst v63  }
0x25: {  	_ =	swait.ge [sflag:s8], $0x10000  }
0x26: {  	[sflag:s8] =	ssyncset.done $0x0  }
0x27: {  	[sflag:s8] =	ssyncadd.s32 $0xFFFF0000  }
0x28: {  	_ =	sfence.sel $0x180000  }
0x29: {  	[bflag:$0x0] =	sbarrier.arrive $0xFFFF  }
0x2a: {  	p0 =	sne.s32 s1, $0x0;
	_ =	strace $0x9000004A  }
0x2b: {  	s0 =	sadd.s32 @!p0 $0x100000, s0;
	[bflag:$0x2] =	sbarrier.arrive $0xFFFF  }
0x2c: {  	[sflag:s0] =	ssyncadd.tile.s32 @!p0 $0x1;
	_ =	shalt  }
.Lfunc_end2:
_tile_overlayer_lowered:
.L_overlay_start_2:
0x2d: {  	(tag) =	ssettag $0x2  }
0x2e: {  	s0 =	rddreg [dreg:$0x0];
	s2 =	stileid.u32  }
0x2f: {  	s1 =	rddreg [dreg:$0x1];
	p0 =	sne.s32 s2, $0x0  }
0x30: {  	s3 =	rddreg [dreg:$0x2];
	[bflag:$0x3] =	sbarrier.arrive $0xFFFF;
	s2 =	simm.s32 @!p0 $0x1C01  }
0x31: {  	[timem:s3], [sflag:s2] =	dma.local @!p0 [hbm:s0], s1  }
0x32: {  	s0 =	simm.s32 @!p0 $0x1  }
0x33: {  	_ =	swait.ge @!p0 [sflag:s0], s1  }
0x34: {  	s1 =	ssub.s32 @!p0 $0x0, s1;
	[sflag:s0] =	ssyncset.done @!p0 $0x0  }
0x35: {  	[sflag:s0] =	ssyncadd.s32 @!p0 s1  }
0x36: {  	[bflag:$0x3] =	sbarrier.arrive $0xFFFF  }
0x37: {  	_ =	shalt  }

// kernel: sparse-core-data-format-call.cloned.1.call-start
scs
called_computation_lowered:
.L_overlay_start_0:
0x0: {  	s2 =	sld [smem:$0x3FD9]  }
0x1: {  	s3 =	sld [smem:$0x3FFE];
	_ =	sdelay $0x1  }
0x2: {  	s1 =	srdreg.scid  }
0x3: {  	s0 =	sand.u32 $0x1, s1  }
0x4: {  	s19 =	sshll.u32 s0, $0xA;
	s2 =	sadd.s32 s3, s2  }
0x5: {  	s2 =	sadd.s32 s2, s19  }
0x6: {  	[smem:$0x3FC7] =	sst s2  }
0x7: {  	_ = 	snop  }
0x8: {  	s2 =	sld [smem:$0x3FC9]  }
0x9: {  	s20 =	sld [smem:$0x3FD0];
	(tm) =	ssettm $0x1  }
0xa: {  	s4 =	sld [smem:$0x3FFB];
	_ =	sdelay $0x3  }
0xb: {  	_ =	strace s4  }
0xc: {  	s4 =	sld [smem:$0x3FFC];
	_ =	sdelay $0x3  }
0xd: {  	_ =	strace s4  }
0xe: {  	s4 =	sld [smem:$0x3FFD];
	_ =	sdelay $0x3  }
0xf: {  	_ =	strace s4  }
0x10: {  	_ =	strace $0x8FFFFFFF  }
0x11: {  	s21 =	sld [smem:$0x3FDB];
	_ =	sdelay $0x1  }
0x12: {  	s5 =	simm.s32 $_scs_section_size  }
0x13: {  	s6 =	simm.s32 $_size__tile_overlayer_lowered;
	s7 =	simm.s32 $_tile_overlayer_lowered  }
0x14: {  	s24 =	simm.s32 $0x1BFF;
	s23 =	sshll.u32 s7, $0x1;
	s4 =	sadd.s32 s5, s21  }
0x15: {  	s8 =	simm.s32 $0x0;
	s22 =	sshll.u32 s6, $0x1;
	s6 =	sadd.s32 s23, s4  }
0x16: {  	[timem:s8], [sflag:s24] =	dma.local [hbm:s6], s22  }
0x17: {  	_ =	swait.ge [sflag:s24], s22  }
0x18: {  	s5 =	ssub.s32 $0x0, s22;
	[sflag:s24] =	ssyncset.done $0x0  }
0x19: {  	[sflag:s24] =	ssyncadd.s32 s5;
	_ =	sdelay $0x1  }
0x1a: {  	s25 =	simm.s32 $0x1B8B  }
0x1b: {  	_ =	swait.ge [sflag:s25], $0x1  }
0x1c: {  	[sflag:s25] =	ssyncset.done $0x0  }
0x1d: {  	s26 =	simm.s32 $0x1B8E;
	[sflag:s25] =	ssyncadd.s32 $0xFFFFFFFF  }
0x1e: {  	s27 =	simm.s32 $execute0_lowered;
	[smem:$0x3FD2] =	sst s26  }
0x1f: {  	s5 =	sshll.u32 s27, $0x1;
	_ =	strace $0x80000046;
	[dreg:$0x1] =	wrdreg $0xFFFFFFFF  }
0x20: {  	s28 =	simm.s32 $_size_execute0_lowered;
	s4 =	sadd.s32 s4, s5;
	[dreg:$0x0] =	wrdreg $0x0  }
0x21: {  	s5 =	sshll.u32 s28, $0x1;
	[dreg:$0x2] =	wrdreg s4  }
0x22: {  	[dreg:$0x3] =	wrdreg s5  }
0x23: {  	[dreg:$0x4] =	wrdreg $0xC0  }
0x24: {  	_ =	task [dreg:s8], $0x5FFFF  }
0x25: {  	[dreg:$0x1] =	wrdreg $0xFFFFFFFF  }
0x26: {  	[dreg:$0x0] =	wrdreg $0x60  }
0x27: {  	[dreg:$0x2] =	wrdreg s2  }
0x28: {  	[dreg:$0x3] =	wrdreg s20  }
0x29: {  	[dreg:$0x4] =	wrdreg $0x9  }
0x2a: {  	_ =	task.clear_ibuf [dreg:s8], $0x5FFFF;
	_ =	strace $0x90000046  }
0x2b: {  	s29 =	simm.s32 $0x9;
	_ =	strace $0x80000048  }
0x2c: {  	_ =	swait.ge [sflag:s29], $0x1  }
0x2d: {  	[sflag:s29] =	ssyncadd.s32 $0xFFFFFFFF  }
0x2e: {  	_ =	strace $0x90000048  }
0x2f: {  	_ =	sfence  }
0x30: {  	s30 =	sld [smem:$0x0];
	_ =	sdelay $0x2  }
0x31: {  	s31 =	sshll.u32 s1, $0xD;
	s1 =	sshrl.u32 s1, $0x2  }
0x32: {  	s3 =	sand.u32 $0x4000, s31;
	s1 =	sadd.s32 s1, s30  }
0x33: {  	s0 =	sor.u32 s3, s0;
	s1 =	sshll.u32 s1, $0x11  }
0x34: {  	s0 =	sor.u32 s1, s0  }
0x35: {  	s0 =	sadd.s32 $0x8F2B, s0  }
0x36: {  	[sflag:s0] =	ssyncadd.remote.s32 $0x1  }
0x37: {  	_ =	sfence.sel $0xFFFF  }
0x38: {  	[dreg:$0x0] =	wrdreg $0xFFFFFFFF;
	(pc) =	sbr.abs _section_cstart, $3  }
0x39: {  	[dreg:$0x1] =	wrdreg $0xFFFFFFFF  }
0x3a: {  	_ =	task.clear_ibuf [dreg:s8], $0x2FFFF;
	_ =	strace $0x9FFFFFFF  }
0x3b: {  	(tm) =	ssettm $0x7FFFFFFF  }
tec
execute0_lowered:
.L_overlay_start_1:
0x0: {  	(tag) =	ssettag $0x1  }
0x1: {  	s2 =	rddreg [dreg:$0x0]  }
0x2: {  	s3 =	rddreg [dreg:$0x1]  }
0x3: {  	s0 =	rddreg [dreg:$0x2];
	_ =	strace $0x80000047  }
0x4: {  	s4 =	srdreg.scid;
	s1 =	stileid.u32;
	s6 =	simm.s32 $0x2  }
.Ltmp0:
0x5: {  	s11 =	simm.s32 $0x0;
	p0 =	por $0x0, $0x0;
	(pc) =	sbr.rel .LBB1_1-.Ltmp0, $4  }
0x6: {  	s7 =	simm.s32 $0x2000;
	s12 =	simm.s32 $0x0;
	s5 =	sshll.u32 s4, $0x4  }
0x7: {  	s9 =	simm.s32 $0x0;
	s4 =	simm.s32 $0x1;
	s5 =	sand.u32 $0x10, s5  }
0x8: {  	s8 =	simm.s32 $0x0;
	[sflag:s4] =	ssyncpa.u1 $0x0;
	s5 =	sor.u32 s1, s5  }
0x9: {  	[sflag:s6] =	ssyncpa.u1 $0x0;
	s6 =	simm.s32 $0x800;
	s10 =	smov.u32 s5  }
.LBB1_7:
0xa: {  	s13 =	sadd.s32 $0x10, s9  }
0xb: {  	s11 =	sadd.s32 $0x20, s10;
	s15 =	smov.u32 s10;
	p2 =	sgt.s32 s13, $0x3F  }
0xc: {  	p1 =	slt.u32 s8, $0x2;
	s15 =	smov.u32 @p2 s11  }
0xd: {  	s8 =	sadd.s32 $0x1, s8;
	s13 =	simm.s32 @p2 $0x0;
	p2 =	sgt.s32 s15, $0x1FF  }
0xe: {  	s15 =	smov.u32 @p2 s5;
	p2 =	sne.s32 s8, $0x42  }
.Ltmp1:
0xf: {  	_ = 	snop;
	(pc) =	sbr.rel @!p2 .LBB1_8-.Ltmp1, $4  }
0x10: {  	s14 =	simm.s32 @!p1 $0x2  }
0x11: {  	s12 =	smov.u32 s10;
	_ =	swait.ge @!p1 [sflag:s14], $0x4000  }
0x12: {  	p0 =	por !p0, !p0;
	s11 =	smov.u32 s9;
	[sflag:s14] =	ssyncset.done @!p1 $0x0  }
0x13: {  	s9 =	smov.u32 s13;
	[sflag:s14] =	ssyncadd.s32 @!p1 $0xFFFFC000;
	s10 =	smov.u32 s15  }
.LBB1_1:
0x14: {  	p1 =	sgt.u32 s8, $0x3F  }
0x15: {  	s13 =	sxor.u32 @!p1 $0xFFFFFFFF, s8;
	s14 =	sshll.u32 @!p1 s10, $0xD  }
0x16: {  	s15 =	sshll.u32 @!p1 s9, $0x7;
	s13 =	sshll.u32 @!p1 s13, $0xE;
	s14 =	sadd.s32 @!p1 s2, s14  }
0x17: {  	s13 =	sand.u32 @!p1 $0x4000, s13;
	s14 =	sadd.s32 @!p1 s15, s14;
	s15 =	simm.s32 @!p1 $0x0  }
0x18: {  	[tilespmem:s13], [sflag:$0x1] =	stream.linear.gather @!p1 [hbm4b:s14+s15], $0x4000, $0x38;
	[tilespmem:$0x10000] =	vst v63  }
0x19: {  	p1 =	seq.s32 s8, $0x0  }
0x1a: {  	p2 =	seq.s32 @!p1 s8, $0x41  }
0x1b: {  	p1 =	por p1, p2  }
.Ltmp2:
0x1c: {  	_ = 	snop;
	(pc) =	sbr.rel @p1 .LBB1_7-.Ltmp2, $1  }
0x1d: {  	_ =	sdelay $0x3  }
0x1e: {  	s13 =	simm.s32 $0x1;
	_ =	swait.ge [sflag:s4], $0x4000;
	s16 =	sshll.u32 s8, $0xE  }
0x1f: {  	s13 =	simm.s32 @!p0 $0x0;
	[sflag:s4] =	ssyncset.done $0x0;
	s31 =	sand.u32 $0x4000, s16  }
0x20: {  	s16 =	simm.s32 $0x0;
	s14 =	sshll.u32 s13, $0xE;
	[sflag:s4] =	ssyncadd.s32 $0xFFFFC000  }
0x21: {  	s13 =	sor.u32 $0x8040, s14;
	s15 =	sor.u32 $0x40, s14;
	s14 =	sor.u32 $0x8000, s31  }
.LBB1_3:
0x22: {  	v0 =	vmov s15;
	_ =	sdelay $0x3  }
0x23: {  	s18 =	simm.s32 $0x0  }
0x24: {  	v6 =	vld.idx.msk [tilespmem:v0+s18+$0x30 ss:$0x1], $0xffff  }
0x25: {  	v7 =	vld.idx.msk [tilespmem:v0+s18+$0xFFFFFFC0 ss:$0x1], $0xffff  }
0x26: {  	v5 =	vld.idx.msk [tilespmem:v0+s18+$0xFFFFFFD0 ss:$0x1], $0xffff  }
0x27: {  	v4 =	vld.idx.msk [tilespmem:v0+s18+$0xFFFFFFE0 ss:$0x1], $0xffff  }
0x28: {  	v3 =	vld.idx.msk [tilespmem:v0+s18+$0xFFFFFFF0 ss:$0x1], $0xffff  }
0x29: {  	v1 =	vld.idx.msk [tilespmem:v0+s18+$0x0 ss:$0x1], $0xffff  }
0x2a: {  	v2 =	vld.idx.msk [tilespmem:v0+s18+$0x10 ss:$0x1], $0xffff;
	[tilespmem:s13+$0x30] =	vst v6  }
0x2b: {  	s17 =	simm.s32 $0x80;
	s19 =	simm.s32 $0x400;
	[tilespmem:s13+$0xFFFFFFC0] =	vst v7;
	v6 =	vld.idx.msk [tilespmem:v0+s18+$0x20 ss:$0x1], $0xffff;
	s18 =	smov.u32 s13  }
.LBB1_4:
0x2c: {  	p1 =	sne.s32 s19, $0xE00;
	v7 =	vld.idx.msk [tilespmem:v0+s17+$0x30 ss:$0x1], $0xffff;
	[tilespmem:s18+$0xFFFFFFD0] =	vst v5  }
0x2d: {  	v8 =	vld.idx.msk [tilespmem:v0+s17+$0xFFFFFFC0 ss:$0x1], $0xffff;
	[tilespmem:s18+$0xFFFFFFE0] =	vst v4  }
0x2e: {  	v5 =	vld.idx.msk [tilespmem:v0+s17+$0xFFFFFFD0 ss:$0x1], $0xffff;
	[tilespmem:s18+$0xFFFFFFF0] =	vst v3  }
.Ltmp3:
0x2f: {  	v4 =	vld.idx.msk [tilespmem:v0+s17+$0xFFFFFFE0 ss:$0x1], $0xffff;
	[tilespmem:s18+$0x0] =	vst v1;
	(pc) =	sbr.rel @p1 .LBB1_4-.Ltmp3, $4  }
0x30: {  	v3 =	vld.idx.msk [tilespmem:v0+s17+$0xFFFFFFF0 ss:$0x1], $0xffff;
	[tilespmem:s18+$0x10] =	vst v2  }
0x31: {  	v1 =	vld.idx.msk [tilespmem:v0+s17+$0x0 ss:$0x1], $0xffff;
	[tilespmem:s18+$0x20] =	vst v6;
	s18 =	sadd.s32 $0x800, s18  }
0x32: {  	v2 =	vld.idx.msk [tilespmem:v0+s17+$0x10 ss:$0x1], $0xffff;
	[tilespmem:s18+$0x30] =	vst v7  }
0x33: {  	[tilespmem:s18+$0xFFFFFFC0] =	vst v8;
	v6 =	vld.idx.msk [tilespmem:v0+s17+$0x20 ss:$0x1], $0xffff;
	s17 =	sshra.s32 s19, $0x2;
	s19 =	sadd.s32 $0x200, s19  }
0x34: {  	_ =	sdelay $0x2  }
0x35: {  	[tilespmem:s18+$0xFFFFFFD0] =	vst v5  }
0x36: {  	v56 =	vld.idx.msk [tilespmem:v0+s17+$0x30 ss:$0x1], $0xffff;
	[tilespmem:s18+$0xFFFFFFE0] =	vst v4  }
0x37: {  	v57 =	vld.idx.msk [tilespmem:v0+s17+$0xFFFFFFC0 ss:$0x1], $0xffff;
	[tilespmem:s18+$0xFFFFFFF0] =	vst v3  }
0x38: {  	v58 =	vld.idx.msk [tilespmem:v0+s17+$0xFFFFFFD0 ss:$0x1], $0xffff;
	[tilespmem:s18+$0x0] =	vst v1  }
0x39: {  	v59 =	vld.idx.msk [tilespmem:v0+s17+$0xFFFFFFE0 ss:$0x1], $0xffff;
	[tilespmem:s18+$0x10] =	vst v2  }
0x3a: {  	v60 =	vld.idx.msk [tilespmem:v0+s17+$0xFFFFFFF0 ss:$0x1], $0xffff;
	s31 =	sadd.s32 $0x800, s18;
	[tilespmem:s18+$0x20] =	vst v6  }
0x3b: {  	v61 =	vld.idx.msk [tilespmem:v0+s17+$0x0 ss:$0x1], $0xffff;
	[tilespmem:s31+$0x30] =	vst v56  }
0x3c: {  	v62 =	vld.idx.msk [tilespmem:v0+s17+$0x10 ss:$0x1], $0xffff;
	s16 =	sadd.s32 $0x1, s16;
	[tilespmem:s31+$0xFFFFFFC0] =	vst v57  }
0x3d: {  	v63 =	vld.idx.msk [tilespmem:v0+s17+$0x20 ss:$0x1], $0xffff;
	p1 =	sne.s32 s16, $0x10;
	[tilespmem:s31+$0xFFFFFFD0] =	vst v58  }
.Ltmp4:
0x3e: {  	[tilespmem:s31+$0xFFFFFFE0] =	vst v59;
	(pc) =	sbr.rel @p1 .LBB1_3-.Ltmp4, $4  }
0x3f: {  	[tilespmem:s31+$0xFFFFFFF0] =	vst v60  }
0x40: {  	[tilespmem:s31+$0x0] =	vst v61  }
0x41: {  	[tilespmem:s31+$0x10] =	vst v62  }
0x42: {  	s13 =	sadd.s32 $0x80, s13;
	s15 =	sadd.s32 $0x400, s15;
	[tilespmem:s31+$0x20] =	vst v63  }
.Ltmp5:
0x43: {  	(pc) =	sbr.rel .LBB1_7-.Ltmp5, $4  }
0x44: {  	s12 =	sshll.u32 s12, $0xD;
	s11 =	sshll.u32 s11, $0x4  }
0x45: {  	s11 =	sand.u32 $0x3F0, s11;
	s12 =	sadd.s32 s3, s12  }
0x46: {  	s11 =	sadd.s32 s11, s12  }
0x47: {  	[hbm4b:s11+s6] =	stream.strided.scatter [tilespmem:s14], [sflag:$0x2], $0x4000, s7, s6, $0x38;
	[tilespmem:$0x10000] =	vst v63  }
.LBB1_8:
0x48: {  	_ =	sfence.sel $0x180000  }
0x49: {  	s2 =	simm.s32 $0x1;
	[bflag:$0x0] =	sbarrier.arrive $0xFFFF  }
0x4a: {  	s31 =	simm.s32 $0x2;
	[sflag:s2] =	ssyncpa.u1 $0x1  }
0x4b: {  	[sflag:s31] =	ssyncpa.u1 $0x1  }
0x4c: {  	p0 =	sne.s32 s1, $0x0;
	_ =	strace $0x90000047  }
0x4d: {  	s0 =	sadd.s32 @!p0 $0x100000, s0;
	[bflag:$0x2] =	sbarrier.arrive $0xFFFF  }
0x4e: {  	[sflag:s0] =	ssyncadd.tile.s32 @!p0 $0x1;
	_ =	shalt  }
.Lfunc_end1:
_tile_overlayer_lowered:
.L_overlay_start_2:
0x4f: {  	(tag) =	ssettag $0x2  }
0x50: {  	s0 =	rddreg [dreg:$0x0];
	s2 =	stileid.u32  }
0x51: {  	s1 =	rddreg [dreg:$0x1];
	p0 =	sne.s32 s2, $0x0  }
0x52: {  	s3 =	rddreg [dreg:$0x2];
	[bflag:$0x3] =	sbarrier.arrive $0xFFFF;
	s2 =	simm.s32 @!p0 $0x1C01  }
0x53: {  	[timem:s3], [sflag:s2] =	dma.local @!p0 [hbm:s0], s1  }
0x54: {  	s0 =	simm.s32 @!p0 $0x1  }
0x55: {  	_ =	swait.ge @!p0 [sflag:s0], s1  }
0x56: {  	s1 =	ssub.s32 @!p0 $0x0, s1;
	[sflag:s0] =	ssyncset.done @!p0 $0x0  }
0x57: {  	[sflag:s0] =	ssyncadd.s32 @!p0 s1  }
0x58: {  	[bflag:$0x3] =	sbarrier.arrive $0xFFFF  }
0x59: {  	_ =	shalt  }

</sc_bundles>
